<compile_context>
chip_gen: v7x
topology: tpu7x:2x2x1
jax: 0.10.2.dev20260603
libtpu: 0.0.44.dev20260713+nightly
codegen_flags: <defaults>
</compile_context>

<pallas_src>
import functools

import jax
import jax.numpy as jnp
from jax import lax
from jax.experimental import pallas as pl
from jax.experimental.pallas import tpu as pltpu
from jax.experimental.pallas import tpu_sc as plsc

CUTOFF = 10.0
CUTOFF_SR = 2.0
KEHALF = 7.199822675975274
N_NODES = 100000
N_EDGES = 6400000

NC = 2
NS = 16
L = 16
NW = NC * NS
CH = 2000
EPW = N_EDGES // NW
NCHUNK = EPW // CH
G = CH // L

_P0 = 0.9999991252
_P1 = -2.467364153
_P2 = 2.028983924
_P3 = -0.6661269207
_P4 = 0.1147943105
_P5 = -0.01028713516

_CHI1 = 1.0 / CUTOFF
_CHI2 = _CHI1 * _CHI1
_CHI3 = _CHI2 * _CHI1


def _sc_body(d_hbm, vec_hbm, chg_hbm, dpx_hbm, dpy_hbm, dpz_hbm,
             iu_hbm, iv_hbm, out_hbm,
             iu_v, iv_v, d_v, vec_v,
             qu_v, qv_v, dux_v, duy_v, duz_v, dvx_v, dvy_v, dvz_v,
             out_v, sem):
    wid = lax.axis_index("s") * NC + lax.axis_index("c")
    base0 = wid * EPW
    lanes = lax.iota(jnp.int32, L)

    def chunk_body(j, carry):
        base = base0 + j * CH
        pltpu.sync_copy(iu_hbm.at[pl.ds(base, CH)], iu_v)
        pltpu.sync_copy(iv_hbm.at[pl.ds(base, CH)], iv_v)
        cps = [
            pltpu.async_copy(chg_hbm.at[iu_v], qu_v, sem),
            pltpu.async_copy(chg_hbm.at[iv_v], qv_v, sem),
            pltpu.async_copy(dpx_hbm.at[iu_v], dux_v, sem),
            pltpu.async_copy(dpy_hbm.at[iu_v], duy_v, sem),
            pltpu.async_copy(dpz_hbm.at[iu_v], duz_v, sem),
            pltpu.async_copy(dpx_hbm.at[iv_v], dvx_v, sem),
            pltpu.async_copy(dpy_hbm.at[iv_v], dvy_v, sem),
            pltpu.async_copy(dpz_hbm.at[iv_v], dvz_v, sem),
        ]
        pltpu.sync_copy(d_hbm.at[pl.ds(base, CH)], d_v)
        pltpu.sync_copy(vec_hbm.at[pl.ds(3 * base, 3 * CH)], vec_v)
        for c in cps:
            c.wait()

        def group(i, c):
            s = i * L
            d = d_v[pl.ds(s, L)]
            d2 = d * d
            inv_d = 1.0 / d
            a = d2 + 1.0
            yi = 0x5F3759DF - (lax.bitcast_convert_type(a, jnp.int32) >> 1)
            y = lax.bitcast_convert_type(yi, jnp.float32)
            xh = a * 0.5
            y = y * (1.5 - xh * y * y)
            inv_dd = y * (1.5 - xh * y * y)
            t = d2 * 0.25
            sw = _P5
            sw = sw * t + _P4
            sw = sw * t + _P3
            sw = sw * t + _P2
            sw = sw * t + _P1
            sw = sw * t + _P0
            sw = jnp.where(d < CUTOFF_SR, sw, 0.0)
            chi = inv_d + sw * (inv_dd - inv_d)
            chi2 = chi * chi
            chi3 = chi2 * chi
            qu = qu_v[pl.ds(s, L)]
            qv = qv_v[pl.ds(s, L)]
            dux = dux_v[pl.ds(s, L)]
            duy = duy_v[pl.ds(s, L)]
            duz = duz_v[pl.ds(s, L)]
            dvx = dvx_v[pl.ds(s, L)]
            dvy = dvy_v[pl.ds(s, L)]
            dvz = dvz_v[pl.ds(s, L)]
            i3 = 3 * s + 3 * lanes
            vx = plsc.load_gather(vec_v, [i3])
            vy = plsc.load_gather(vec_v, [i3 + 1])
            vz = plsc.load_gather(vec_v, [i3 + 2])
            dot_uv = (vx * dvx + vy * dvy + vz * dvz) * inv_d
            dot_vu = (vx * dux + vy * duy + vz * duz) * inv_d
            dudv = dux * dvx + duy * dvy + duz * dvz
            e = qu * qv * (chi - _CHI1)
            e = e + 2.0 * qu * dot_uv * (chi2 - _CHI2)
            e = e + (dudv - 3.0 * dot_uv * dot_vu) * (chi3 - _CHI3)
            e = KEHALF * e
            e = jnp.where(d <= CUTOFF, e, 0.0)
            out_v[pl.ds(s, L)] = e
            return c

        lax.fori_loop(0, G, group, 0, unroll=False)
        pltpu.sync_copy(out_v, out_hbm.at[pl.ds(base, CH)])
        return carry

    lax.fori_loop(0, NCHUNK, chunk_body, 0, unroll=False)


@jax.jit
def _run(distances, vec_flat, chg, dpx, dpy, dpz, idx_u, idx_v):
    mesh = plsc.VectorSubcoreMesh(core_axis_name="c", subcore_axis_name="s")
    f = pl.kernel(
        _sc_body,
        out_type=jax.ShapeDtypeStruct((N_EDGES,), jnp.float32),
        mesh=mesh,
        compiler_params=pltpu.CompilerParams(needs_layout_passes=False),
        scratch_types=[
            pltpu.VMEM((CH,), jnp.int32),
            pltpu.VMEM((CH,), jnp.int32),
            pltpu.VMEM((CH,), jnp.float32),
            pltpu.VMEM((3 * CH,), jnp.float32),
            pltpu.VMEM((CH,), jnp.float32),
            pltpu.VMEM((CH,), jnp.float32),
            pltpu.VMEM((CH,), jnp.float32),
            pltpu.VMEM((CH,), jnp.float32),
            pltpu.VMEM((CH,), jnp.float32),
            pltpu.VMEM((CH,), jnp.float32),
            pltpu.VMEM((CH,), jnp.float32),
            pltpu.VMEM((CH,), jnp.float32),
            pltpu.VMEM((CH,), jnp.float32),
            pltpu.SemaphoreType.DMA,
        ],
    )
    return f(distances, vec_flat, chg, dpx, dpy, dpz, idx_u, idx_v)


def kernel(distances_uv, vectors_uv, atomic_charges, atomic_dipoles, idx_u, idx_v):
    dpx = atomic_dipoles[:, 0]
    dpy = atomic_dipoles[:, 1]
    dpz = atomic_dipoles[:, 2]
    vec_flat = vectors_uv.reshape(-1)
    return _run(distances_uv, vec_flat, atomic_charges, dpx, dpy, dpz,
                idx_u.astype(jnp.int32), idx_v.astype(jnp.int32))

# --- scband reference (transcript-rebuilt; emitter-appended) ---
"""Pipeline reference for scband-damped-electrostatics-shifted-potential-48498770706887 (READ-ONLY COPY).

The authoritative reference and input builder live on the scoring server;
editing this copy changes nothing except your own understanding.
"""

import jax, jax.numpy as jnp
import numpy as np

CUTOFF = 10.0
CUTOFF_SR = 2.0
KEHALF = 7.199822675975274
OFFSET2 = 1.0
N_NODES = 100000
N_EDGES = 6400000


def switch_fn(d):
    x = jnp.clip(d / CUTOFF_SR, 0.0, 1.0)
    return jnp.where(d < CUTOFF_SR, 0.5 * (jnp.cos(jnp.pi * x) + 1.0), jnp.zeros_like(d))


def setup_inputs(seed: int = 0) -> dict:
    key = jax.random.key(seed)
    k1, k2, k3, k4, k5, k6 = jax.random.split(key, 6)
    # edge distances spanning inside the short range, mid range and beyond the cutoff
    distances_uv = jax.random.uniform(k1, (N_EDGES,), dtype=jnp.float32) * 12.0 + 0.05
    dirs = jax.random.normal(k2, (N_EDGES, 3), dtype=jnp.float32)
    dirs = dirs / (jnp.linalg.norm(dirs, axis=1, keepdims=True) + 1e-12)
    vectors_uv = dirs * distances_uv[:, None]
    atomic_charges = jax.random.normal(k3, (N_NODES,), dtype=jnp.float32)
    atomic_dipoles = jax.random.normal(k4, (N_NODES, 3), dtype=jnp.float32) * 0.1
    idx_u = jax.random.randint(k5, (N_EDGES,), 0, N_NODES, dtype=jnp.int64 if jax.config.jax_enable_x64 else jnp.int32)
    idx_v = jax.random.randint(k6, (N_EDGES,), 0, N_NODES, dtype=jnp.int64 if jax.config.jax_enable_x64 else jnp.int32)
    return {
        'distances_uv': distances_uv,
        'vectors_uv': vectors_uv,
        'atomic_charges': atomic_charges,
        'atomic_dipoles': atomic_dipoles,
        'idx_u': idx_u,
        'idx_v': idx_v,
    }


def reference(distances_uv, vectors_uv, atomic_charges, atomic_dipoles, idx_u, idx_v):
    distances = distances_uv
    distances_damped = jnp.sqrt(distances ** 2 + OFFSET2)
    switch_damped = switch_fn(distances)
    switch_ordinary = 1.0 - switch_damped
    chi = switch_damped / distances_damped + switch_ordinary / distances
    chi_shift = 1.0 / CUTOFF
    # SparseCore-style gathers: node attributes indexed by edge endpoints
    atomic_charges_u = jnp.take(atomic_charges, idx_u, axis=0)
    atomic_charges_v = jnp.take(atomic_charges, idx_v, axis=0)
    Eelec = atomic_charges_u * atomic_charges_v * (chi - chi_shift)
    # atomic dipole contributions (atomic_dipoles=True, atomic_quadrupoles=False)
    chi2 = chi ** 2
    chi3 = chi2 * chi
    chi2_shift = chi_shift ** 2
    chi3_shift = chi2_shift * chi_shift
    atomic_dipoles_u = jnp.take(atomic_dipoles, idx_u, axis=0)
    atomic_dipoles_v = jnp.take(atomic_dipoles, idx_v, axis=0)
    normalized_vectors_uv = vectors_uv / distances[:, None]
    dot_uv = jnp.sum(normalized_vectors_uv * atomic_dipoles_v, axis=1)
    dot_vu = jnp.sum(normalized_vectors_uv * atomic_dipoles_u, axis=1)
    Eelec_cd = 2.0 * atomic_charges_u * dot_uv * (chi2 - chi2_shift)
    Eelec_dd = (jnp.sum(atomic_dipoles_u * atomic_dipoles_v, axis=1) - 3.0 * dot_uv * dot_vu) * (chi3 - chi3_shift)
    Eelec = Eelec + Eelec_cd + Eelec_dd
    Eelec = KEHALF * Eelec
    Eelec = jnp.where(distances <= CUTOFF, Eelec, jnp.zeros_like(Eelec))
    return Eelec

if __name__ == "__main__":
    import jax
    _d = setup_inputs()
    print(jax.jit(kernel)(*tuple(_d.values())))

</pallas_src>

<mosaic_0001>
#map = affine_map<(d0, d1) -> (0)>
module attributes {stable_mosaic.version = 14 : i64} {
  func.func @_sc_body(%arg0: i32, %arg1: i32, %arg2: memref<6400000xf32, #tpu.memory_space<hbm>>, %arg3: memref<19200000xf32, #tpu.memory_space<hbm>>, %arg4: memref<100000xf32, #tpu.memory_space<hbm>>, %arg5: memref<100000xf32, #tpu.memory_space<hbm>>, %arg6: memref<100000xf32, #tpu.memory_space<hbm>>, %arg7: memref<100000xf32, #tpu.memory_space<hbm>>, %arg8: memref<6400000xi32, #tpu.memory_space<hbm>>, %arg9: memref<6400000xi32, #tpu.memory_space<hbm>>, %arg10: memref<6400000xf32, #tpu.memory_space<hbm>>, %arg11: memref<2000xi32, #tpu.memory_space<vmem>>, %arg12: memref<2000xi32, #tpu.memory_space<vmem>>, %arg13: memref<2000xf32, #tpu.memory_space<vmem>>, %arg14: memref<6000xf32, #tpu.memory_space<vmem>>, %arg15: memref<2000xf32, #tpu.memory_space<vmem>>, %arg16: memref<2000xf32, #tpu.memory_space<vmem>>, %arg17: memref<2000xf32, #tpu.memory_space<vmem>>, %arg18: memref<2000xf32, #tpu.memory_space<vmem>>, %arg19: memref<2000xf32, #tpu.memory_space<vmem>>, %arg20: memref<2000xf32, #tpu.memory_space<vmem>>, %arg21: memref<2000xf32, #tpu.memory_space<vmem>>, %arg22: memref<2000xf32, #tpu.memory_space<vmem>>, %arg23: memref<2000xf32, #tpu.memory_space<vmem>>, %arg24: memref<!tpu.dma_semaphore, #tpu.memory_space<semaphore_mem>>) attributes {dimension_semantics = [#tpu.dimension_semantics<core_parallel>, #tpu.dimension_semantics<subcore_parallel>], iteration_bounds = array<i64: 2, 16>, scalar_prefetch = 0 : i64, scratch_operands = 14 : i64, tpu.core_type = #tpu.core_type<sc_vector_subcore>, window_params = [{transform_indices = #map}, {transform_indices = #map}, {transform_indices = #map}, {transform_indices = #map}, {transform_indices = #map}, {transform_indices = #map}, {transform_indices = #map}, {transform_indices = #map}, {transform_indices = #map}]} {
    %mul3A = arith.constant 2 : i32
    %mul3A_0 = arith.muli %arg1, %mul3A : i32
    %add3A = arith.addi %mul3A_0, %arg0 : i32
    %mul3A_1 = arith.constant 200000 : i32
    %mul3A_2 = arith.muli %add3A, %mul3A_1 : i32
    %iota3A = tpu.iota {dimensions = array<i32: 0>} : vector<16xi32>
    %scan3A = arith.constant 0 : i32
    %scan3A_3 = arith.constant 0 : i32
    %scan3A_4 = arith.constant 100 : i32
    %scan3A_5 = arith.addi %scan3A_3, %scan3A_4 : i32
    %scan3A_6 = arith.constant 1 : i32
    scf.for %scan3A_8 = %scan3A_3 to %scan3A_5 step %scan3A_6  : i32 {
      %mul3A_9 = arith.constant 2000 : i32
      %mul3A_10 = arith.muli %scan3A_8, %mul3A_9 : i32
      %add3A_11 = arith.addi %mul3A_2, %mul3A_10 : i32
      "tpu.region"() ({
        %run_scoped3A = tpu.sem_alloc : memref<!tpu.dma_semaphore, #tpu.memory_space<semaphore_mem>>
        %dma_start3A_50 = tpu.memref_slice %arg8[%add3A_11] : memref<6400000xi32, #tpu.memory_space<hbm>> -> memref<2000xi32, #tpu.memory_space<hbm>>
        %dma_start3A_51 = tpu.memref_slice %arg8[%add3A_11] : memref<6400000xi32, #tpu.memory_space<hbm>> -> memref<2000xi32, #tpu.memory_space<hbm>>
        tpu.enqueue_dma source(%dma_start3A_51 : memref<2000xi32, #tpu.memory_space<hbm>>) target(%arg11 : memref<2000xi32, #tpu.memory_space<vmem>>) target_semaphore(%run_scoped3A : memref<!tpu.dma_semaphore, #tpu.memory_space<semaphore_mem>>)
        %dma_wait3A_52 = tpu.memref_slice %arg8[%add3A_11] : memref<6400000xi32, #tpu.memory_space<hbm>> -> memref<2000xi32, #tpu.memory_space<hbm>>
        %dma_wait3A_53 = tpu.memref_slice %arg8[%add3A_11] : memref<6400000xi32, #tpu.memory_space<hbm>> -> memref<2000xi32, #tpu.memory_space<hbm>>
        tpu.wait_dma2 semaphore(%run_scoped3A : memref<!tpu.dma_semaphore, #tpu.memory_space<semaphore_mem>>) src(%dma_wait3A_53 : memref<2000xi32, #tpu.memory_space<hbm>>) dst(%arg11 : memref<2000xi32, #tpu.memory_space<vmem>>)
        tpu.yield
      }) : () -> ()
      "tpu.region"() ({
        %run_scoped3A = tpu.sem_alloc : memref<!tpu.dma_semaphore, #tpu.memory_space<semaphore_mem>>
        %dma_start3A_50 = tpu.memref_slice %arg9[%add3A_11] : memref<6400000xi32, #tpu.memory_space<hbm>> -> memref<2000xi32, #tpu.memory_space<hbm>>
        %dma_start3A_51 = tpu.memref_slice %arg9[%add3A_11] : memref<6400000xi32, #tpu.memory_space<hbm>> -> memref<2000xi32, #tpu.memory_space<hbm>>
        tpu.enqueue_dma source(%dma_start3A_51 : memref<2000xi32, #tpu.memory_space<hbm>>) target(%arg12 : memref<2000xi32, #tpu.memory_space<vmem>>) target_semaphore(%run_scoped3A : memref<!tpu.dma_semaphore, #tpu.memory_space<semaphore_mem>>)
        %dma_wait3A_52 = tpu.memref_slice %arg9[%add3A_11] : memref<6400000xi32, #tpu.memory_space<hbm>> -> memref<2000xi32, #tpu.memory_space<hbm>>
        %dma_wait3A_53 = tpu.memref_slice %arg9[%add3A_11] : memref<6400000xi32, #tpu.memory_space<hbm>> -> memref<2000xi32, #tpu.memory_space<hbm>>
        tpu.wait_dma2 semaphore(%run_scoped3A : memref<!tpu.dma_semaphore, #tpu.memory_space<semaphore_mem>>) src(%dma_wait3A_53 : memref<2000xi32, #tpu.memory_space<hbm>>) dst(%arg12 : memref<2000xi32, #tpu.memory_space<vmem>>)
        tpu.yield
      }) : () -> ()
      %dma_start3A = arith.constant 0 : i32
      %dma_start3A_12 = tpu.memref_slice %arg4[%dma_start3A] : memref<100000xf32, #tpu.memory_space<hbm>> -> memref<100000xf32, #tpu.memory_space<hbm>>
      tpu.enqueue_indirect_dma source(%dma_start3A_12 : memref<100000xf32, #tpu.memory_space<hbm>>) target(%arg15 : memref<2000xf32, #tpu.memory_space<vmem>>) offsets(%arg11 : memref<2000xi32, #tpu.memory_space<vmem>>) semaphore(%arg24 : memref<!tpu.dma_semaphore, #tpu.memory_space<semaphore_mem>>)
      %dma_start3A_13 = arith.constant 0 : i32
      %dma_start3A_14 = tpu.memref_slice %arg4[%dma_start3A_13] : memref<100000xf32, #tpu.memory_space<hbm>> -> memref<100000xf32, #tpu.memory_space<hbm>>
      tpu.enqueue_indirect_dma source(%dma_start3A_14 : memref<100000xf32, #tpu.memory_space<hbm>>) target(%arg16 : memref<2000xf32, #tpu.memory_space<vmem>>) offsets(%arg12 : memref<2000xi32, #tpu.memory_space<vmem>>) semaphore(%arg24 : memref<!tpu.dma_semaphore, #tpu.memory_space<semaphore_mem>>)
      %dma_start3A_15 = arith.constant 0 : i32
      %dma_start3A_16 = tpu.memref_slice %arg5[%dma_start3A_15] : memref<100000xf32, #tpu.memory_space<hbm>> -> memref<100000xf32, #tpu.memory_space<hbm>>
      tpu.enqueue_indirect_dma source(%dma_start3A_16 : memref<100000xf32, #tpu.memory_space<hbm>>) target(%arg17 : memref<2000xf32, #tpu.memory_space<vmem>>) offsets(%arg11 : memref<2000xi32, #tpu.memory_space<vmem>>) semaphore(%arg24 : memref<!tpu.dma_semaphore, #tpu.memory_space<semaphore_mem>>)
      %dma_start3A_17 = arith.constant 0 : i32
      %dma_start3A_18 = tpu.memref_slice %arg6[%dma_start3A_17] : memref<100000xf32, #tpu.memory_space<hbm>> -> memref<100000xf32, #tpu.memory_space<hbm>>
      tpu.enqueue_indirect_dma source(%dma_start3A_18 : memref<100000xf32, #tpu.memory_space<hbm>>) target(%arg18 : memref<2000xf32, #tpu.memory_space<vmem>>) offsets(%arg11 : memref<2000xi32, #tpu.memory_space<vmem>>) semaphore(%arg24 : memref<!tpu.dma_semaphore, #tpu.memory_space<semaphore_mem>>)
      %dma_start3A_19 = arith.constant 0 : i32
      %dma_start3A_20 = tpu.memref_slice %arg7[%dma_start3A_19] : memref<100000xf32, #tpu.memory_space<hbm>> -> memref<100000xf32, #tpu.memory_space<hbm>>
      tpu.enqueue_indirect_dma source(%dma_start3A_20 : memref<100000xf32, #tpu.memory_space<hbm>>) target(%arg19 : memref<2000xf32, #tpu.memory_space<vmem>>) offsets(%arg11 : memref<2000xi32, #tpu.memory_space<vmem>>) semaphore(%arg24 : memref<!tpu.dma_semaphore, #tpu.memory_space<semaphore_mem>>)
      %dma_start3A_21 = arith.constant 0 : i32
      %dma_start3A_22 = tpu.memref_slice %arg5[%dma_start3A_21] : memref<100000xf32, #tpu.memory_space<hbm>> -> memref<100000xf32, #tpu.memory_space<hbm>>
      tpu.enqueue_indirect_dma source(%dma_start3A_22 : memref<100000xf32, #tpu.memory_space<hbm>>) target(%arg20 : memref<2000xf32, #tpu.memory_space<vmem>>) offsets(%arg12 : memref<2000xi32, #tpu.memory_space<vmem>>) semaphore(%arg24 : memref<!tpu.dma_semaphore, #tpu.memory_space<semaphore_mem>>)
      %dma_start3A_23 = arith.constant 0 : i32
      %dma_start3A_24 = tpu.memref_slice %arg6[%dma_start3A_23] : memref<100000xf32, #tpu.memory_space<hbm>> -> memref<100000xf32, #tpu.memory_space<hbm>>
      tpu.enqueue_indirect_dma source(%dma_start3A_24 : memref<100000xf32, #tpu.memory_space<hbm>>) target(%arg21 : memref<2000xf32, #tpu.memory_space<vmem>>) offsets(%arg12 : memref<2000xi32, #tpu.memory_space<vmem>>) semaphore(%arg24 : memref<!tpu.dma_semaphore, #tpu.memory_space<semaphore_mem>>)
      %dma_start3A_25 = arith.constant 0 : i32
      %dma_start3A_26 = tpu.memref_slice %arg7[%dma_start3A_25] : memref<100000xf32, #tpu.memory_space<hbm>> -> memref<100000xf32, #tpu.memory_space<hbm>>
      tpu.enqueue_indirect_dma source(%dma_start3A_26 : memref<100000xf32, #tpu.memory_space<hbm>>) target(%arg22 : memref<2000xf32, #tpu.memory_space<vmem>>) offsets(%arg12 : memref<2000xi32, #tpu.memory_space<vmem>>) semaphore(%arg24 : memref<!tpu.dma_semaphore, #tpu.memory_space<semaphore_mem>>)
      "tpu.region"() ({
        %run_scoped3A = tpu.sem_alloc : memref<!tpu.dma_semaphore, #tpu.memory_space<semaphore_mem>>
        %dma_start3A_50 = tpu.memref_slice %arg2[%add3A_11] : memref<6400000xf32, #tpu.memory_space<hbm>> -> memref<2000xf32, #tpu.memory_space<hbm>>
        %dma_start3A_51 = tpu.memref_slice %arg2[%add3A_11] : memref<6400000xf32, #tpu.memory_space<hbm>> -> memref<2000xf32, #tpu.memory_space<hbm>>
        tpu.enqueue_dma source(%dma_start3A_51 : memref<2000xf32, #tpu.memory_space<hbm>>) target(%arg13 : memref<2000xf32, #tpu.memory_space<vmem>>) target_semaphore(%run_scoped3A : memref<!tpu.dma_semaphore, #tpu.memory_space<semaphore_mem>>)
        %dma_wait3A_52 = tpu.memref_slice %arg2[%add3A_11] : memref<6400000xf32, #tpu.memory_space<hbm>> -> memref<2000xf32, #tpu.memory_space<hbm>>
        %dma_wait3A_53 = tpu.memref_slice %arg2[%add3A_11] : memref<6400000xf32, #tpu.memory_space<hbm>> -> memref<2000xf32, #tpu.memory_space<hbm>>
        tpu.wait_dma2 semaphore(%run_scoped3A : memref<!tpu.dma_semaphore, #tpu.memory_space<semaphore_mem>>) src(%dma_wait3A_53 : memref<2000xf32, #tpu.memory_space<hbm>>) dst(%arg13 : memref<2000xf32, #tpu.memory_space<vmem>>)
        tpu.yield
      }) : () -> ()
      %mul3A_27 = arith.constant 3 : i32
      %mul3A_28 = arith.muli %mul3A_27, %add3A_11 : i32
      "tpu.region"() ({
        %run_scoped3A = tpu.sem_alloc : memref<!tpu.dma_semaphore, #tpu.memory_space<semaphore_mem>>
        %dma_start3A_50 = tpu.memref_slice %arg3[%mul3A_28] : memref<19200000xf32, #tpu.memory_space<hbm>> -> memref<6000xf32, #tpu.memory_space<hbm>>
        %dma_start3A_51 = tpu.memref_slice %arg3[%mul3A_28] : memref<19200000xf32, #tpu.memory_space<hbm>> -> memref<6000xf32, #tpu.memory_space<hbm>>
        tpu.enqueue_dma source(%dma_start3A_51 : memref<6000xf32, #tpu.memory_space<hbm>>) target(%arg14 : memref<6000xf32, #tpu.memory_space<vmem>>) target_semaphore(%run_scoped3A : memref<!tpu.dma_semaphore, #tpu.memory_space<semaphore_mem>>)
        %dma_wait3A_52 = tpu.memref_slice %arg3[%mul3A_28] : memref<19200000xf32, #tpu.memory_space<hbm>> -> memref<6000xf32, #tpu.memory_space<hbm>>
        %dma_wait3A_53 = tpu.memref_slice %arg3[%mul3A_28] : memref<19200000xf32, #tpu.memory_space<hbm>> -> memref<6000xf32, #tpu.memory_space<hbm>>
        tpu.wait_dma2 semaphore(%run_scoped3A : memref<!tpu.dma_semaphore, #tpu.memory_space<semaphore_mem>>) src(%dma_wait3A_53 : memref<6000xf32, #tpu.memory_space<hbm>>) dst(%arg14 : memref<6000xf32, #tpu.memory_space<vmem>>)
        tpu.yield
      }) : () -> ()
      %dma_wait3A = arith.constant 0 : i32
      %dma_wait3A_29 = tpu.memref_slice %arg4[%dma_wait3A] : memref<100000xf32, #tpu.memory_space<hbm>> -> memref<100000xf32, #tpu.memory_space<hbm>>
      tpu.wait_indirect_dma semaphore(%arg24 : memref<!tpu.dma_semaphore, #tpu.memory_space<semaphore_mem>>) src(%dma_wait3A_29 : memref<100000xf32, #tpu.memory_space<hbm>>) dst(%arg15 : memref<2000xf32, #tpu.memory_space<vmem>>)
      %dma_wait3A_30 = arith.constant 0 : i32
      %dma_wait3A_31 = tpu.memref_slice %arg4[%dma_wait3A_30] : memref<100000xf32, #tpu.memory_space<hbm>> -> memref<100000xf32, #tpu.memory_space<hbm>>
      tpu.wait_indirect_dma semaphore(%arg24 : memref<!tpu.dma_semaphore, #tpu.memory_space<semaphore_mem>>) src(%dma_wait3A_31 : memref<100000xf32, #tpu.memory_space<hbm>>) dst(%arg16 : memref<2000xf32, #tpu.memory_space<vmem>>)
      %dma_wait3A_32 = arith.constant 0 : i32
      %dma_wait3A_33 = tpu.memref_slice %arg5[%dma_wait3A_32] : memref<100000xf32, #tpu.memory_space<hbm>> -> memref<100000xf32, #tpu.memory_space<hbm>>
      tpu.wait_indirect_dma semaphore(%arg24 : memref<!tpu.dma_semaphore, #tpu.memory_space<semaphore_mem>>) src(%dma_wait3A_33 : memref<100000xf32, #tpu.memory_space<hbm>>) dst(%arg17 : memref<2000xf32, #tpu.memory_space<vmem>>)
      %dma_wait3A_34 = arith.constant 0 : i32
      %dma_wait3A_35 = tpu.memref_slice %arg6[%dma_wait3A_34] : memref<100000xf32, #tpu.memory_space<hbm>> -> memref<100000xf32, #tpu.memory_space<hbm>>
      tpu.wait_indirect_dma semaphore(%arg24 : memref<!tpu.dma_semaphore, #tpu.memory_space<semaphore_mem>>) src(%dma_wait3A_35 : memref<100000xf32, #tpu.memory_space<hbm>>) dst(%arg18 : memref<2000xf32, #tpu.memory_space<vmem>>)
      %dma_wait3A_36 = arith.constant 0 : i32
      %dma_wait3A_37 = tpu.memref_slice %arg7[%dma_wait3A_36] : memref<100000xf32, #tpu.memory_space<hbm>> -> memref<100000xf32, #tpu.memory_space<hbm>>
      tpu.wait_indirect_dma semaphore(%arg24 : memref<!tpu.dma_semaphore, #tpu.memory_space<semaphore_mem>>) src(%dma_wait3A_37 : memref<100000xf32, #tpu.memory_space<hbm>>) dst(%arg19 : memref<2000xf32, #tpu.memory_space<vmem>>)
      %dma_wait3A_38 = arith.constant 0 : i32
      %dma_wait3A_39 = tpu.memref_slice %arg5[%dma_wait3A_38] : memref<100000xf32, #tpu.memory_space<hbm>> -> memref<100000xf32, #tpu.memory_space<hbm>>
      tpu.wait_indirect_dma semaphore(%arg24 : memref<!tpu.dma_semaphore, #tpu.memory_space<semaphore_mem>>) src(%dma_wait3A_39 : memref<100000xf32, #tpu.memory_space<hbm>>) dst(%arg20 : memref<2000xf32, #tpu.memory_space<vmem>>)
      %dma_wait3A_40 = arith.constant 0 : i32
      %dma_wait3A_41 = tpu.memref_slice %arg6[%dma_wait3A_40] : memref<100000xf32, #tpu.memory_space<hbm>> -> memref<100000xf32, #tpu.memory_space<hbm>>
      tpu.wait_indirect_dma semaphore(%arg24 : memref<!tpu.dma_semaphore, #tpu.memory_space<semaphore_mem>>) src(%dma_wait3A_41 : memref<100000xf32, #tpu.memory_space<hbm>>) dst(%arg21 : memref<2000xf32, #tpu.memory_space<vmem>>)
      %dma_wait3A_42 = arith.constant 0 : i32
      %dma_wait3A_43 = tpu.memref_slice %arg7[%dma_wait3A_42] : memref<100000xf32, #tpu.memory_space<hbm>> -> memref<100000xf32, #tpu.memory_space<hbm>>
      tpu.wait_indirect_dma semaphore(%arg24 : memref<!tpu.dma_semaphore, #tpu.memory_space<semaphore_mem>>) src(%dma_wait3A_43 : memref<100000xf32, #tpu.memory_space<hbm>>) dst(%arg22 : memref<2000xf32, #tpu.memory_space<vmem>>)
      %scan3A_44 = arith.constant 0 : i32
      %scan3A_45 = arith.constant 0 : i32
      %scan3A_46 = arith.constant 125 : i32
      %scan3A_47 = arith.addi %scan3A_45, %scan3A_46 : i32
      %scan3A_48 = arith.constant 1 : i32
      scf.for %scan3A_50 = %scan3A_45 to %scan3A_47 step %scan3A_48  : i32 {
        %mul3A_51 = arith.constant 16 : i32
        %mul3A_52 = arith.muli %scan3A_50, %mul3A_51 : i32
        %get3A = arith.index_cast %mul3A_52 : i32 to index
        %get3A_53 = tpu.vector_load %arg13[%get3A] {strides = array<i32>} : memref<2000xf32, #tpu.memory_space<vmem>>, vector<16xf32>,
        %mul3A_54 = arith.mulf %get3A_53, %get3A_53 : vector<16xf32>
        %div3A = arith.constant 1.000000e+00 : f32
        %div3A_55 = vector.broadcast %div3A : f32 to vector<16xf32>
        %div3A_56 = arith.divf %div3A_55, %get3A_53 : vector<16xf32>
        %add3A_57 = arith.constant 1.000000e+00 : f32
        %add3A_58 = vector.broadcast %add3A_57 : f32 to vector<16xf32>
        %add3A_59 = arith.addf %mul3A_54, %add3A_58 : vector<16xf32>
        %bitcast_convert_type3A = tpu.bitcast %add3A_59 : vector<16xf32> -> vector<16xi32>
        %shift_right_arithmetic3A = arith.constant 1 : i32
        %shift_right_arithmetic3A_60 = vector.broadcast %shift_right_arithmetic3A : i32 to vector<16xi32>
        %shift_right_arithmetic3A_61 = arith.shrsi %bitcast_convert_type3A, %shift_right_arithmetic3A_60 : vector<16xi32>
        %sub3A = arith.constant 1597463007 : i32
        %sub3A_62 = vector.broadcast %sub3A : i32 to vector<16xi32>
        %sub3A_63 = arith.subi %sub3A_62, %shift_right_arithmetic3A_61 : vector<16xi32>
        %bitcast_convert_type3A_64 = tpu.bitcast %sub3A_63 : vector<16xi32> -> vector<16xf32>
        %mul3A_65 = arith.constant 5.000000e-01 : f32
        %mul3A_66 = vector.broadcast %mul3A_65 : f32 to vector<16xf32>
        %mul3A_67 = arith.mulf %add3A_59, %mul3A_66 : vector<16xf32>
        %mul3A_68 = arith.mulf %mul3A_67, %bitcast_convert_type3A_64 : vector<16xf32>
        %mul3A_69 = arith.mulf %mul3A_68, %bitcast_convert_type3A_64 : vector<16xf32>
        %sub3A_70 = arith.constant 1.500000e+00 : f32
        %sub3A_71 = vector.broadcast %sub3A_70 : f32 to vector<16xf32>
        %sub3A_72 = arith.subf %sub3A_71, %mul3A_69 : vector<16xf32>
        %mul3A_73 = arith.mulf %bitcast_convert_type3A_64, %sub3A_72 : vector<16xf32>
        %mul3A_74 = arith.mulf %mul3A_67, %mul3A_73 : vector<16xf32>
        %mul3A_75 = arith.mulf %mul3A_74, %mul3A_73 : vector<16xf32>
        %sub3A_76 = arith.constant 1.500000e+00 : f32
        %sub3A_77 = vector.broadcast %sub3A_76 : f32 to vector<16xf32>
        %sub3A_78 = arith.subf %sub3A_77, %mul3A_75 : vector<16xf32>
        %mul3A_79 = arith.mulf %mul3A_73, %sub3A_78 : vector<16xf32>
        %mul3A_80 = arith.constant 2.500000e-01 : f32
        %mul3A_81 = vector.broadcast %mul3A_80 : f32 to vector<16xf32>
        %mul3A_82 = arith.mulf %mul3A_54, %mul3A_81 : vector<16xf32>
        %mul3A_83 = arith.constant -0.0102871349 : f32
        %mul3A_84 = vector.broadcast %mul3A_83 : f32 to vector<16xf32>
        %mul3A_85 = arith.mulf %mul3A_84, %mul3A_82 : vector<16xf32>
        %add3A_86 = arith.constant 0.114794314 : f32
        %add3A_87 = vector.broadcast %add3A_86 : f32 to vector<16xf32>
        %add3A_88 = arith.addf %mul3A_85, %add3A_87 : vector<16xf32>
        %mul3A_89 = arith.mulf %add3A_88, %mul3A_82 : vector<16xf32>
        %add3A_90 = arith.constant -0.666126906 : f32
        %add3A_91 = vector.broadcast %add3A_90 : f32 to vector<16xf32>
        %add3A_92 = arith.addf %mul3A_89, %add3A_91 : vector<16xf32>
        %mul3A_93 = arith.mulf %add3A_92, %mul3A_82 : vector<16xf32>
        %add3A_94 = arith.constant 2.02898383 : f32
        %add3A_95 = vector.broadcast %add3A_94 : f32 to vector<16xf32>
        %add3A_96 = arith.addf %mul3A_93, %add3A_95 : vector<16xf32>
        %mul3A_97 = arith.mulf %add3A_96, %mul3A_82 : vector<16xf32>
        %add3A_98 = arith.constant -2.46736407 : f32
        %add3A_99 = vector.broadcast %add3A_98 : f32 to vector<16xf32>
        %add3A_100 = arith.addf %mul3A_97, %add3A_99 : vector<16xf32>
        %mul3A_101 = arith.mulf %add3A_100, %mul3A_82 : vector<16xf32>
        %add3A_102 = arith.constant 0.999999105 : f32
        %add3A_103 = vector.broadcast %add3A_102 : f32 to vector<16xf32>
        %add3A_104 = arith.addf %mul3A_101, %add3A_103 : vector<16xf32>
        %lt3A = arith.constant 2.000000e+00 : f32
        %lt3A_105 = vector.broadcast %lt3A : f32 to vector<16xf32>
        %lt3A_106 = arith.cmpf olt, %get3A_53, %lt3A_105 : vector<16xf32>
        %jit3A = arith.constant 0.000000e+00 : f32
        %broadcast_in_dim3A = vector.broadcast %jit3A : f32 to vector<16xf32>
        %select_n3A = arith.select %lt3A_106, %add3A_104, %broadcast_in_dim3A : vector<16xi1>, vector<16xf32>
        %sub3A_107 = arith.subf %mul3A_79, %div3A_56 : vector<16xf32>
        %mul3A_108 = arith.mulf %select_n3A, %sub3A_107 : vector<16xf32>
        %add3A_109 = arith.addf %div3A_56, %mul3A_108 : vector<16xf32>
        %mul3A_110 = arith.mulf %add3A_109, %add3A_109 : vector<16xf32>
        %mul3A_111 = arith.mulf %mul3A_110, %add3A_109 : vector<16xf32>
        %get3A_112 = arith.index_cast %mul3A_52 : i32 to index
        %get3A_113 = tpu.vector_load %arg15[%get3A_112] {strides = array<i32>} : memref<2000xf32, #tpu.memory_space<vmem>>, vector<16xf32>,
        %get3A_114 = arith.index_cast %mul3A_52 : i32 to index
        %get3A_115 = tpu.vector_load %arg16[%get3A_114] {strides = array<i32>} : memref<2000xf32, #tpu.memory_space<vmem>>, vector<16xf32>,
        %get3A_116 = arith.index_cast %mul3A_52 : i32 to index
        %get3A_117 = tpu.vector_load %arg17[%get3A_116] {strides = array<i32>} : memref<2000xf32, #tpu.memory_space<vmem>>, vector<16xf32>,
        %get3A_118 = arith.index_cast %mul3A_52 : i32 to index
        %get3A_119 = tpu.vector_load %arg18[%get3A_118] {strides = array<i32>} : memref<2000xf32, #tpu.memory_space<vmem>>, vector<16xf32>,
        %get3A_120 = arith.index_cast %mul3A_52 : i32 to index
        %get3A_121 = tpu.vector_load %arg19[%get3A_120] {strides = array<i32>} : memref<2000xf32, #tpu.memory_space<vmem>>, vector<16xf32>,
        %get3A_122 = arith.index_cast %mul3A_52 : i32 to index
        %get3A_123 = tpu.vector_load %arg20[%get3A_122] {strides = array<i32>} : memref<2000xf32, #tpu.memory_space<vmem>>, vector<16xf32>,
        %get3A_124 = arith.index_cast %mul3A_52 : i32 to index
        %get3A_125 = tpu.vector_load %arg21[%get3A_124] {strides = array<i32>} : memref<2000xf32, #tpu.memory_space<vmem>>, vector<16xf32>,
        %get3A_126 = arith.index_cast %mul3A_52 : i32 to index
        %get3A_127 = tpu.vector_load %arg22[%get3A_126] {strides = array<i32>} : memref<2000xf32, #tpu.memory_space<vmem>>, vector<16xf32>,
        %mul3A_128 = arith.constant 3 : i32
        %mul3A_129 = arith.muli %mul3A_128, %mul3A_52 : i32
        %mul3A_130 = arith.constant 3 : i32
        %mul3A_131 = vector.broadcast %mul3A_130 : i32 to vector<16xi32>
        %mul3A_132 = arith.muli %mul3A_131, %iota3A : vector<16xi32>
        %add3A_133 = vector.broadcast %mul3A_129 : i32 to vector<16xi32>
        %add3A_134 = arith.addi %add3A_133, %mul3A_132 : vector<16xi32>
        %gather3A = tpu.vector_load_idx %arg14[%add3A_134] : memref<6000xf32, #tpu.memory_space<vmem>>[vector<16xi32>], vector<16xf32>,
        %add3A_135 = arith.constant 1 : i32
        %add3A_136 = vector.broadcast %add3A_135 : i32 to vector<16xi32>
        %add3A_137 = arith.addi %add3A_134, %add3A_136 : vector<16xi32>
        %gather3A_138 = tpu.vector_load_idx %arg14[%add3A_137] : memref<6000xf32, #tpu.memory_space<vmem>>[vector<16xi32>], vector<16xf32>,
        %add3A_139 = arith.constant 2 : i32
        %add3A_140 = vector.broadcast %add3A_139 : i32 to vector<16xi32>
        %add3A_141 = arith.addi %add3A_134, %add3A_140 : vector<16xi32>
        %gather3A_142 = tpu.vector_load_idx %arg14[%add3A_141] : memref<6000xf32, #tpu.memory_space<vmem>>[vector<16xi32>], vector<16xf32>,
        %mul3A_143 = arith.mulf %gather3A, %get3A_123 : vector<16xf32>
        %mul3A_144 = arith.mulf %gather3A_138, %get3A_125 : vector<16xf32>
        %add3A_145 = arith.addf %mul3A_143, %mul3A_144 : vector<16xf32>
        %mul3A_146 = arith.mulf %gather3A_142, %get3A_127 : vector<16xf32>
        %add3A_147 = arith.addf %add3A_145, %mul3A_146 : vector<16xf32>
        %mul3A_148 = arith.mulf %add3A_147, %div3A_56 : vector<16xf32>
        %mul3A_149 = arith.mulf %gather3A, %get3A_117 : vector<16xf32>
        %mul3A_150 = arith.mulf %gather3A_138, %get3A_119 : vector<16xf32>
        %add3A_151 = arith.addf %mul3A_149, %mul3A_150 : vector<16xf32>
        %mul3A_152 = arith.mulf %gather3A_142, %get3A_121 : vector<16xf32>
        %add3A_153 = arith.addf %add3A_151, %mul3A_152 : vector<16xf32>
        %mul3A_154 = arith.mulf %add3A_153, %div3A_56 : vector<16xf32>
        %mul3A_155 = arith.mulf %get3A_117, %get3A_123 : vector<16xf32>
        %mul3A_156 = arith.mulf %get3A_119, %get3A_125 : vector<16xf32>
        %add3A_157 = arith.addf %mul3A_155, %mul3A_156 : vector<16xf32>
        %mul3A_158 = arith.mulf %get3A_121, %get3A_127 : vector<16xf32>
        %add3A_159 = arith.addf %add3A_157, %mul3A_158 : vector<16xf32>
        %mul3A_160 = arith.mulf %get3A_113, %get3A_115 : vector<16xf32>
        %sub3A_161 = arith.constant 1.000000e-01 : f32
        %sub3A_162 = vector.broadcast %sub3A_161 : f32 to vector<16xf32>
        %sub3A_163 = arith.subf %add3A_109, %sub3A_162 : vector<16xf32>
        %mul3A_164 = arith.mulf %mul3A_160, %sub3A_163 : vector<16xf32>
        %mul3A_165 = arith.constant 2.000000e+00 : f32
        %mul3A_166 = vector.broadcast %mul3A_165 : f32 to vector<16xf32>
        %mul3A_167 = arith.mulf %mul3A_166, %get3A_113 : vector<16xf32>
        %mul3A_168 = arith.mulf %mul3A_167, %mul3A_148 : vector<16xf32>
        %sub3A_169 = arith.constant 0.00999999977 : f32
        %sub3A_170 = vector.broadcast %sub3A_169 : f32 to vector<16xf32>
        %sub3A_171 = arith.subf %mul3A_110, %sub3A_170 : vector<16xf32>
        %mul3A_172 = arith.mulf %mul3A_168, %sub3A_171 : vector<16xf32>
        %add3A_173 = arith.addf %mul3A_164, %mul3A_172 : vector<16xf32>
        %mul3A_174 = arith.constant 3.000000e+00 : f32
        %mul3A_175 = vector.broadcast %mul3A_174 : f32 to vector<16xf32>
        %mul3A_176 = arith.mulf %mul3A_175, %mul3A_148 : vector<16xf32>
        %mul3A_177 = arith.mulf %mul3A_176, %mul3A_154 : vector<16xf32>
        %sub3A_178 = arith.subf %add3A_159, %mul3A_177 : vector<16xf32>
        %sub3A_179 = arith.constant 1.000000e-03 : f32
        %sub3A_180 = vector.broadcast %sub3A_179 : f32 to vector<16xf32>
        %sub3A_181 = arith.subf %mul3A_111, %sub3A_180 : vector<16xf32>
        %mul3A_182 = arith.mulf %sub3A_178, %sub3A_181 : vector<16xf32>
        %add3A_183 = arith.addf %add3A_173, %mul3A_182 : vector<16xf32>
        %mul3A_184 = arith.constant 7.1998229 : f32
        %mul3A_185 = vector.broadcast %mul3A_184 : f32 to vector<16xf32>
        %mul3A_186 = arith.mulf %mul3A_185, %add3A_183 : vector<16xf32>
        %le3A = arith.constant 1.000000e+01 : f32
        %le3A_187 = vector.broadcast %le3A : f32 to vector<16xf32>
        %le3A_188 = arith.cmpf ole, %get3A_53, %le3A_187 : vector<16xf32>
        %jit3A_189 = arith.constant 0.000000e+00 : f32
        %broadcast_in_dim3A_190 = vector.broadcast %jit3A_189 : f32 to vector<16xf32>
        %select_n3A_191 = arith.select %le3A_188, %mul3A_186, %broadcast_in_dim3A_190 : vector<16xi1>, vector<16xf32>
        %swap3A = arith.index_cast %mul3A_52 : i32 to index
        %swap3A_192 = tpu.vector_load %arg23[%swap3A] {strides = array<i32>} : memref<2000xf32, #tpu.memory_space<vmem>>, vector<16xf32>,
        tpu.vector_store %arg23[%swap3A], %select_n3A_191 {strides = array<i32>} : memref<2000xf32, #tpu.memory_space<vmem>>, vector<16xf32>,
      }
      %scan3A_49 = arith.constant 125 : i32
      "tpu.region"() ({
        %run_scoped3A = tpu.sem_alloc : memref<!tpu.dma_semaphore, #tpu.memory_space<semaphore_mem>>
        %dma_start3A_50 = tpu.memref_slice %arg10[%add3A_11] : memref<6400000xf32, #tpu.memory_space<hbm>> -> memref<2000xf32, #tpu.memory_space<hbm>>
        %dma_start3A_51 = tpu.memref_slice %arg10[%add3A_11] : memref<6400000xf32, #tpu.memory_space<hbm>> -> memref<2000xf32, #tpu.memory_space<hbm>>
        tpu.enqueue_dma source(%arg23 : memref<2000xf32, #tpu.memory_space<vmem>>) target(%dma_start3A_51 : memref<2000xf32, #tpu.memory_space<hbm>>) target_semaphore(%run_scoped3A : memref<!tpu.dma_semaphore, #tpu.memory_space<semaphore_mem>>)
        %dma_wait3A_52 = tpu.memref_slice %arg10[%add3A_11] : memref<6400000xf32, #tpu.memory_space<hbm>> -> memref<2000xf32, #tpu.memory_space<hbm>>
        %dma_wait3A_53 = tpu.memref_slice %arg10[%add3A_11] : memref<6400000xf32, #tpu.memory_space<hbm>> -> memref<2000xf32, #tpu.memory_space<hbm>>
        tpu.wait_dma2 semaphore(%run_scoped3A : memref<!tpu.dma_semaphore, #tpu.memory_space<semaphore_mem>>) src(%arg23 : memref<2000xf32, #tpu.memory_space<vmem>>) dst(%dma_wait3A_53 : memref<2000xf32, #tpu.memory_space<hbm>>)
        tpu.yield
      }) : () -> ()
    }
    %scan3A_7 = arith.constant 100 : i32
    return
  }
}

</mosaic_0001>

<sc_bundles>
// kernel: _run.3.cloned.1.call-start
scs
__scs_entry_jumppad:
0x0: {  	(pc) =	sbr.rel $0x88, $3  }
0x1: {  	(tag) =	ssettag $0x0;
	lr =	simm.s32 $0x1  }
0x2: {  	[smem:$0x3F99] =	sst lr;
	_ =	strace $0xD0000000  }
0x3: {  	_ = 	snop  }
0x4: {  	_ = 	snop  }
0x5: {  	_ = 	snop  }
0x6: {  	_ = 	snop  }
0x7: {  	_ = 	snop  }
__scs_overlays_trampoline_lowered:
0x8: {  	[smem:$0x3FA8] =	sst s0  }
0x9: {  	[smem:$0x3FA9] =	sst s1  }
0xa: {  	[smem:$0x3FAA] =	sst s2  }
0xb: {  	[smem:$0x3FAB] =	sst s3  }
0xc: {  	[smem:$0x3FAC] =	sst s4  }
0xd: {  	[smem:$0x3FAD] =	sst s5  }
0xe: {  	[smem:$0x3FAE] =	sst s6  }
0xf: {  	[smem:$0x3FAF] =	sst s7  }
0x10: {  	[smem:$0x3FB0] =	sst s8  }
0x11: {  	[smem:$0x3FB1] =	sst s9;
	s0 =	simm.s32 @!p0 $0x0  }
0x12: {  	s1 =	sld [smem:$0x3F97];
	s0 =	simm.s32 @p0 $0x1  }
0x13: {  	[smem:$0x3FB2] =	sst s0;
	s0 =	simm.s32 @!p1 $0x0  }
0x14: {  	s2 =	sld [smem:$0x3F96];
	s0 =	simm.s32 @p1 $0x1  }
0x15: {  	[smem:$0x3FB3] =	sst s0;
	s0 =	simm.s32 @!p2 $0x0  }
0x16: {  	s3 =	sld [smem:$0x3FDB];
	s0 =	simm.s32 @p2 $0x1  }
0x17: {  	s4 =	simm.s32 $0x1BF5;
	[smem:$0x3FB5] =	sst s0  }
0x18: {  	s0 =	sld [smem:$0x3F98];
	_ =	swait.ge [sflag:s4], $0x0  }
0x19: {  	s7 =	sld [smem:$0x3F99]  }
0x1a: {  	s8 =	sadd.s32 $0xFFFFE003, lr  }
0x1b: {  	s9 =	sadd.s32 $0xFFFFFEF7, lr;
	s5 =	simm.s32 $0xFFFFFFFF;
	p2 =	slt.u32 s8, $0xFFFFF086  }
0x1c: {  	p1 =	slt.u32 s9, $0xF7A;
	s5 =	simm.s32 @!p2 $0x0  }
0x1d: {  	s5 =	simm.s32 @p1 $0x1;
	p0 =	seq.s32 s7, s2  }
0x1e: {  	s7 =	smul.u32 @!p0 $0xF7A, s2;
	p2 =	seq.s32 @!p0 s5, $0x0  }
0x1f: {  	s9 =	smul.u32 $0xF7A, s1;
	s8 =	simm.s32 @!p0 $0x1BF5;
	p2 =	por !p2, p0  }
0x20: {  	[sflag:s8] =	ssyncset.s32 @!p0 $0xFFFFF086;
	s6 =	sadd.s32 @!p0 s3, s7;
	s7 =	simm.s32 @!p0 $0x108  }
0x21: {  	s3 =	sadd.s32 s3, s9;
	s6 =	sadd.s32 @!p0 $0x88, s6;
	s7 =	simm.s32 @p2 $0x1082  }
0x22: {  	[simem:s7], [sflag:s8] =	dma.local @!p0 [hbm:s6], $0xF7A  }
0x23: {  	s9 =	sor.u32 $0xD0000000, s2;
	s6 =	simm.s32 $0x108;
	_ =	swait.ge @!p0 [sflag:s8], $0x0  }
0x24: {  	s3 =	sadd.s32 $0x88, s3;
	s6 =	simm.s32 @!p1 $0x1082;
	[sflag:s4] =	ssyncset.s32 $0xFFFFF086  }
0x25: {  	[simem:s6], [sflag:s4] =	dma.local [hbm:s3], $0xF7A  }
0x26: {  	[smem:$0x3F99] =	sst s1;
	(tag) =	ssettag s2;
	_ =	strace s9  }
0x27: {  	s1 =	sld [smem:$0x3FA9]  }
0x28: {  	s2 =	sld [smem:$0x3FAA]  }
0x29: {  	s4 =	sld [smem:$0x3FAC]  }
0x2a: {  	p0 =	seq.s32 s5, $0x0;
	s5 =	sld [smem:$0x3FAD]  }
0x2b: {  	s6 =	sld [smem:$0x3FAE]  }
0x2c: {  	s7 =	sld [smem:$0x3FAF]  }
0x2d: {  	s3 =	simm.s32 $0x108;
	s8 =	sld [smem:$0x3FB0]  }
0x2e: {  	s3 =	simm.s32 @!p0 $0x1082;
	s9 =	sld [smem:$0x3FB1]  }
0x2f: {  	lr =	sadd.s32 s0, s3;
	s0 =	sld [smem:$0x3FA8]  }
0x30: {  	s3 =	sld [smem:$0x3FAB]  }
0x31: {  	[smem:$0x3FB4] =	sst s10  }
0x32: {  	s10 =	sld [smem:$0x3FB2];
	_ =	sdelay $0x3  }
0x33: {  	p0 =	seq.s32 s10, $0x1;
	s10 =	sld [smem:$0x3FB4];
	_ =	sdelay $0x3  }
0x34: {  	[smem:$0x3FB4] =	sst s10  }
0x35: {  	s10 =	sld [smem:$0x3FB3];
	_ =	sdelay $0x3  }
0x36: {  	p1 =	seq.s32 s10, $0x1;
	s10 =	sld [smem:$0x3FB4];
	_ =	sdelay $0x3  }
0x37: {  	[smem:$0x3FB4] =	sst s10  }
0x38: {  	s10 =	sld [smem:$0x3FB5]  }
0x39: {  	_ = 	snop;
	(pc) =	sbr.ind lr, $3  }
0x3a: {  	_ = 	snop  }
0x3b: {  	_ = 	snop  }
0x3c: {  	p2 =	seq.s32 s10, $0x1;
	s10 =	sld [smem:$0x3FB4]  }
0x3d: {  	_ =	shalt  }
0x3e: {  	_ =	shalt  }
0x3f: {  	_ =	shalt  }
0x40: {  	_ =	shalt  }
0x41: {  	_ =	shalt  }
0x42: {  	_ =	shalt  }
0x43: {  	_ =	shalt  }
0x44: {  	_ =	shalt  }
0x45: {  	_ =	shalt  }
0x46: {  	_ =	shalt  }
0x47: {  	_ =	shalt  }
0x48: {  	_ =	shalt  }
0x49: {  	_ =	shalt  }
0x4a: {  	_ =	shalt  }
0x4b: {  	_ =	shalt  }
0x4c: {  	_ =	shalt  }
0x4d: {  	_ =	shalt  }
0x4e: {  	_ =	shalt  }
0x4f: {  	_ =	shalt  }
0x50: {  	_ =	shalt  }
0x51: {  	_ =	shalt  }
0x52: {  	_ =	shalt  }
0x53: {  	_ =	shalt  }
0x54: {  	_ =	shalt  }
0x55: {  	_ =	shalt  }
0x56: {  	_ =	shalt  }
0x57: {  	_ =	shalt  }
0x58: {  	_ =	shalt  }
0x59: {  	_ =	shalt  }
0x5a: {  	_ =	shalt  }
0x5b: {  	_ =	shalt  }
0x5c: {  	_ =	shalt  }
0x5d: {  	_ =	shalt  }
0x5e: {  	_ =	shalt  }
0x5f: {  	_ =	shalt  }
0x60: {  	_ =	shalt  }
0x61: {  	_ =	shalt  }
0x62: {  	_ =	shalt  }
0x63: {  	_ =	shalt  }
0x64: {  	_ =	shalt  }
0x65: {  	_ =	shalt  }
0x66: {  	_ =	shalt  }
0x67: {  	_ =	shalt  }
0x68: {  	_ =	shalt  }
0x69: {  	_ =	shalt  }
0x6a: {  	_ =	shalt  }
0x6b: {  	_ =	shalt  }
0x6c: {  	_ =	shalt  }
0x6d: {  	_ =	shalt  }
0x6e: {  	_ =	shalt  }
0x6f: {  	_ =	shalt  }
0x70: {  	_ =	shalt  }
0x71: {  	_ =	shalt  }
0x72: {  	_ =	shalt  }
0x73: {  	_ =	shalt  }
0x74: {  	_ =	shalt  }
0x75: {  	_ =	shalt  }
0x76: {  	_ =	shalt  }
0x77: {  	_ =	shalt  }
0x78: {  	_ =	shalt  }
0x79: {  	_ =	shalt  }
0x7a: {  	_ =	shalt  }
0x7b: {  	_ =	shalt  }
0x7c: {  	_ =	shalt  }
0x7d: {  	_ =	shalt  }
0x7e: {  	_ =	shalt  }
0x7f: {  	_ =	shalt  }
0x80: {  	_ =	shalt  }
0x81: {  	_ =	shalt  }
0x82: {  	_ =	shalt  }
0x83: {  	_ =	shalt  }
0x84: {  	_ =	shalt  }
0x85: {  	_ =	shalt  }
0x86: {  	_ =	shalt  }
0x87: {  	_ =	shalt  }
.Lfunc_end0:
.L_simem_size_0:
called_computation_lowered:
.L_overlay_start_0:
0x88: {  	s2 =	sld [smem:$0x3FD9]  }
0x89: {  	s3 =	sld [smem:$0x3FFE];
	_ =	sdelay $0x1  }
0x8a: {  	s1 =	srdreg.scid  }
0x8b: {  	s0 =	sand.u32 $0x1, s1  }
0x8c: {  	s18 =	sshll.u32 s0, $0xA;
	s2 =	sadd.s32 s3, s2  }
0x8d: {  	s2 =	sadd.s32 s2, s18  }
0x8e: {  	[smem:$0x3FC0] =	sst s2  }
0x8f: {  	_ = 	snop  }
0x90: {  	s2 =	sld [smem:$0x3FC9]  }
0x91: {  	s19 =	sld [smem:$0x3FC8]  }
0x92: {  	s4 =	sld [smem:$0x3FC7]  }
0x93: {  	s5 =	sld [smem:$0x3FC6]  }
0x94: {  	s6 =	sld [smem:$0x3FC5]  }
0x95: {  	s7 =	sld [smem:$0x3FC4]  }
0x96: {  	s8 =	sld [smem:$0x3FC3]  }
0x97: {  	s9 =	sld [smem:$0x3FC2]  }
0x98: {  	s10 =	sld [smem:$0x3FD0];
	(tm) =	ssettm $0x1  }
0x99: {  	s11 =	sld [smem:$0x3FFB];
	_ =	sdelay $0x3  }
0x9a: {  	_ =	strace s11  }
0x9b: {  	s11 =	sld [smem:$0x3FFC];
	_ =	sdelay $0x3  }
0x9c: {  	_ =	strace s11  }
0x9d: {  	s11 =	sld [smem:$0x3FFD];
	_ =	sdelay $0x3  }
0x9e: {  	_ =	strace s11  }
0x9f: {  	_ =	strace $0x8FFFFFFF  }
0xa0: {  	s20 =	sld [smem:$0x3FDB];
	_ =	sdelay $0x1  }
0xa1: {  	s12 =	simm.s32 $_scs_section_size  }
0xa2: {  	s13 =	simm.s32 $_size__tile_overlayer_lowered;
	s14 =	simm.s32 $_tile_overlayer_lowered  }
0xa3: {  	s23 =	simm.s32 $0x1BFF;
	s22 =	sshll.u32 s14, $0x1;
	s11 =	sadd.s32 s12, s20  }
0xa4: {  	s15 =	simm.s32 $0x0;
	s21 =	sshll.u32 s13, $0x1;
	s13 =	sadd.s32 s22, s11  }
0xa5: {  	[timem:s15], [sflag:s23] =	dma.local [hbm:s13], s21  }
0xa6: {  	_ =	swait.ge [sflag:s23], s21  }
0xa7: {  	s12 =	ssub.s32 $0x0, s21;
	[sflag:s23] =	ssyncset.done $0x0  }
0xa8: {  	[sflag:s23] =	ssyncadd.s32 s12;
	_ =	sdelay $0x1  }
0xa9: {  	s24 =	simm.s32 $0x1B8B  }
0xaa: {  	_ =	swait.ge [sflag:s24], $0x1  }
0xab: {  	[sflag:s24] =	ssyncset.done $0x0  }
0xac: {  	s25 =	simm.s32 $0x1B8E;
	[sflag:s24] =	ssyncadd.s32 $0xFFFFFFFF  }
0xad: {  	s26 =	simm.s32 $execute0_lowered;
	[smem:$0x3FD2] =	sst s25  }
0xae: {  	s12 =	sshll.u32 s26, $0x1;
	_ =	strace $0x80000046;
	[dreg:$0x1] =	wrdreg $0xFFFFFFFF  }
0xaf: {  	s28 =	simm.s32 $_size_execute0_lowered;
	s11 =	sadd.s32 s11, s12;
	[dreg:$0x0] =	wrdreg $0x0  }
0xb0: {  	s12 =	sshll.u32 s28, $0x1;
	[dreg:$0x2] =	wrdreg s11  }
0xb1: {  	[dreg:$0x3] =	wrdreg s12  }
0xb2: {  	[dreg:$0x4] =	wrdreg $0xC0  }
0xb3: {  	_ =	task [dreg:s15], $0x5FFFF  }
0xb4: {  	[dreg:$0x1] =	wrdreg $0xFFFFFFFF  }
0xb5: {  	[dreg:$0x0] =	wrdreg $0x60  }
0xb6: {  	[dreg:$0x2] =	wrdreg s2  }
0xb7: {  	[dreg:$0x3] =	wrdreg s19  }
0xb8: {  	[dreg:$0x4] =	wrdreg s4  }
0xb9: {  	[dreg:$0x5] =	wrdreg s5  }
0xba: {  	[dreg:$0x6] =	wrdreg s6  }
0xbb: {  	[dreg:$0x7] =	wrdreg s7  }
0xbc: {  	[dreg:$0x8] =	wrdreg s8  }
0xbd: {  	[dreg:$0x9] =	wrdreg s9  }
0xbe: {  	[dreg:$0xa] =	wrdreg s10  }
0xbf: {  	[dreg:$0xb] =	wrdreg $0x9  }
0xc0: {  	_ =	task.clear_ibuf [dreg:s15], $0xCFFFF;
	_ =	strace $0x90000046  }
0xc1: {  	s29 =	simm.s32 $0x9;
	_ =	strace $0x80000048  }
0xc2: {  	_ =	swait.ge [sflag:s29], $0x1  }
0xc3: {  	[sflag:s29] =	ssyncadd.s32 $0xFFFFFFFF  }
0xc4: {  	_ =	strace $0x90000048  }
0xc5: {  	_ =	sfence  }
0xc6: {  	s30 =	sld [smem:$0x0];
	_ =	sdelay $0x2  }
0xc7: {  	s31 =	sshll.u32 s1, $0xD;
	s1 =	sshrl.u32 s1, $0x2  }
0xc8: {  	s3 =	sand.u32 $0x4000, s31;
	s1 =	sadd.s32 s1, s30  }
0xc9: {  	s0 =	sor.u32 s3, s0;
	s1 =	sshll.u32 s1, $0x11  }
0xca: {  	s0 =	sor.u32 s1, s0  }
0xcb: {  	s0 =	sadd.s32 $0x8F2B, s0  }
0xcc: {  	[sflag:s0] =	ssyncadd.remote.s32 $0x1  }
0xcd: {  	_ =	sfence.sel $0xFFFF  }
0xce: {  	[dreg:$0x0] =	wrdreg $0xFFFFFFFF;
	(pc) =	sbr.abs _section_cstart, $3  }
0xcf: {  	[dreg:$0x1] =	wrdreg $0xFFFFFFFF  }
0xd0: {  	_ =	task.clear_ibuf [dreg:s15], $0x2FFFF;
	_ =	strace $0x9FFFFFFF  }
0xd1: {  	(tm) =	ssettm $0x7FFFFFFF  }
tec
execute0_lowered:
.L_overlay_start_1:
0x0: {  	(tag) =	ssettag $0x1  }
0x1: {  	s1 =	rddreg [dreg:$0x1]  }
0x2: {  	s2 =	rddreg [dreg:$0x2]  }
0x3: {  	s3 =	rddreg [dreg:$0x3]  }
0x4: {  	s5 =	rddreg [dreg:$0x4]  }
0x5: {  	s6 =	rddreg [dreg:$0x5]  }
0x6: {  	s7 =	rddreg [dreg:$0x6]  }
0x7: {  	s8 =	rddreg [dreg:$0x7]  }
0x8: {  	s9 =	rddreg [dreg:$0x8]  }
0x9: {  	s0 =	srdreg.scid;
	s11 =	simm.s32 $0x0;
	s12 =	stileid.u32  }
0xa: {  	s14 =	simm.s32 $0x2;
	s15 =	simm.s32 $0x800;
	s16 =	simm.s32 $0x7D0  }
0xb: {  	s17 =	simm.s32 $0x2F80;
	s18 =	simm.s32 $0x3780;
	s19 =	simm.s32 $0x3F80  }
0xc: {  	s20 =	simm.s32 $0x4780;
	s21 =	simm.s32 $0x4F80;
	s22 =	simm.s32 $0x5780  }
0xd: {  	s23 =	simm.s32 $0x5F80;
	s24 =	simm.s32 $0x6780;
	s0 =	sand.u32 $0x1, s0  }
0xe: {  	s25 =	simm.s32 $0x1000;
	s26 =	simm.s32 $0x1800;
	s4 =	ssub.s32 $0x2, s0  }
0xf: {  	v0 =	vlaneseq.u32;
	s28 =	simm.s32 $0x1;
	s29 =	simm.s32 $0x6F80;
	s10 =	sshrl.u32 s4, $0x1  }
0x10: {  	[smem:$0x7FF] =	sst s11;
	s12 =	sshll.u32 s12, $0x1;
	v0 =	vmul.u32 $0x3, v0;
	s4 =	ssub.s32 s4, s10  }
0x11: {  	_ =	strace $0x80000047;
	s0 =	sor.u32 s0, s12;
	s31 =	smax.u32 s4, $0x1  }
0x12: {  	s12 =	smul.u32 $0x30D40, s0;
	v1 =	vadd.s32 $0x1, v0;
	v2 =	vadd.s32 $0x2, v0;
	s4 =	simm.s32 $0x0;
	[dreg:$0xa] =	wrdreg s31  }
.LBB2_1:
0x13: {  	[dreg:$0xb] =	wrdreg s4;
	s31 =	simm.s32 $0x0  }
.LBB2_2:
0x14: {  	s0 =	smul.u32 $0x7D0, s31;
	_ =	sdelay $0x1  }
0x15: {  	s0 =	sadd.s32 s12, s0  }
0x16: {  	s4 =	sshrl.u32 s0, $0x3  }
0x17: {  	s10 =	simm.s32 $0x0;
	s13 =	sadd.s32 s7, s4  }
0x18: {  	[tilespmem:s10], [sflag:$0x2] =	stream.linear.gather [hbm4b:s13+s10], $0x7D0, $0x38;
	[tilespmem:$0x7780] =	vst v63  }
0x19: {  	_ =	swait.ge [sflag:s14], $0x7D0  }
0x1a: {  	[sflag:s14] =	ssyncset.done $0x0  }
0x1b: {  	s13 =	sadd.s32 s8, s4;
	[sflag:s14] =	ssyncadd.s32 $0xFFFFF830  }
0x1c: {  	[tilespmem:s15], [sflag:$0x2] =	stream.linear.gather [hbm4b:s13+s10], $0x7D0, $0x38;
	[tilespmem:$0x7780] =	vst v63  }
0x1d: {  	_ =	swait.ge [sflag:s14], $0x7D0  }
0x1e: {  	[sflag:s14] =	ssyncset.done $0x0  }
0x1f: {  	[sflag:s14] =	ssyncadd.s32 $0xFFFFF830  }
0x20: {  	[tilespmem:s17], [sflag:$0x1] =	stream.indirect.gather [hbm4b:s2+s16], $0x1, s10, s16, $0xb8;
	[tilespmem:$0x7780] =	vst v63  }
0x21: {  	_ = 	snop  }
0x22: {  	[tilespmem:s18], [sflag:$0x1] =	stream.indirect.gather [hbm4b:s2+s16], $0x1, s15, s16, $0xb8;
	[tilespmem:$0x7780] =	vst v63  }
0x23: {  	_ = 	snop  }
0x24: {  	[tilespmem:s19], [sflag:$0x1] =	stream.indirect.gather [hbm4b:s3+s16], $0x1, s10, s16, $0xb8;
	[tilespmem:$0x7780] =	vst v63  }
0x25: {  	_ = 	snop  }
0x26: {  	[tilespmem:s20], [sflag:$0x1] =	stream.indirect.gather [hbm4b:s5+s16], $0x1, s10, s16, $0xb8;
	[tilespmem:$0x7780] =	vst v63  }
0x27: {  	_ = 	snop  }
0x28: {  	[tilespmem:s21], [sflag:$0x1] =	stream.indirect.gather [hbm4b:s6+s16], $0x1, s10, s16, $0xb8;
	[tilespmem:$0x7780] =	vst v63  }
0x29: {  	_ = 	snop  }
0x2a: {  	[tilespmem:s22], [sflag:$0x1] =	stream.indirect.gather [hbm4b:s3+s16], $0x1, s15, s16, $0xb8;
	[tilespmem:$0x7780] =	vst v63  }
0x2b: {  	_ = 	snop  }
0x2c: {  	[tilespmem:s23], [sflag:$0x1] =	stream.indirect.gather [hbm4b:s5+s16], $0x1, s15, s16, $0xb8;
	[tilespmem:$0x7780] =	vst v63  }
0x2d: {  	s13 =	rddreg [dreg:$0x0]  }
0x2e: {  	[tilespmem:s24], [sflag:$0x1] =	stream.indirect.gather [hbm4b:s6+s16], $0x1, s15, s16, $0xb8;
	[tilespmem:$0x7780] =	vst v63  }
0x2f: {  	s0 =	smul.u32 $0x3, s0;
	s13 =	sadd.s32 s13, s4  }
0x30: {  	[tilespmem:s25], [sflag:$0x2] =	stream.linear.gather [hbm4b:s13+s10], $0x7D0, $0x38;
	[tilespmem:$0x7780] =	vst v63  }
0x31: {  	_ =	swait.ge [sflag:s14], $0x7D0  }
0x32: {  	s0 =	sshrl.u32 s0, $0x3;
	[sflag:s14] =	ssyncset.done $0x0  }
0x33: {  	s0 =	sadd.s32 s1, s0;
	[sflag:s14] =	ssyncadd.s32 $0xFFFFF830  }
0x34: {  	[tilespmem:s26], [sflag:$0x2] =	stream.linear.gather [hbm4b:s0+s10], $0x1770, $0x38;
	[tilespmem:$0x7780] =	vst v63  }
0x35: {  	_ =	swait.ge [sflag:s14], $0x1770  }
0x36: {  	[sflag:s14] =	ssyncset.done $0x0  }
0x37: {  	[sflag:s14] =	ssyncadd.s32 $0xFFFFE890  }
0x38: {  	_ =	swait.ge [sflag:s28], $0x7D0  }
0x39: {  	[sflag:s28] =	ssyncset.done $0x0  }
0x3a: {  	[sflag:s28] =	ssyncadd.s32 $0xFFFFF830  }
0x3b: {  	_ =	swait.ge [sflag:s28], $0x7D0  }
0x3c: {  	[sflag:s28] =	ssyncset.done $0x0  }
0x3d: {  	[sflag:s28] =	ssyncadd.s32 $0xFFFFF830  }
0x3e: {  	_ =	swait.ge [sflag:s28], $0x7D0  }
0x3f: {  	[sflag:s28] =	ssyncset.done $0x0  }
0x40: {  	[sflag:s28] =	ssyncadd.s32 $0xFFFFF830  }
0x41: {  	_ =	swait.ge [sflag:s28], $0x7D0  }
0x42: {  	[sflag:s28] =	ssyncset.done $0x0  }
0x43: {  	[sflag:s28] =	ssyncadd.s32 $0xFFFFF830  }
0x44: {  	_ =	swait.ge [sflag:s28], $0x7D0  }
0x45: {  	[sflag:s28] =	ssyncset.done $0x0  }
0x46: {  	[sflag:s28] =	ssyncadd.s32 $0xFFFFF830  }
0x47: {  	_ =	swait.ge [sflag:s28], $0x7D0  }
0x48: {  	[sflag:s28] =	ssyncset.done $0x0  }
0x49: {  	[sflag:s28] =	ssyncadd.s32 $0xFFFFF830  }
0x4a: {  	_ =	swait.ge [sflag:s28], $0x7D0  }
0x4b: {  	[sflag:s28] =	ssyncset.done $0x0  }
0x4c: {  	[sflag:s28] =	ssyncadd.s32 $0xFFFFF830  }
0x4d: {  	_ =	swait.ge [sflag:s28], $0x7D0  }
0x4e: {  	[sflag:s28] =	ssyncset.done $0x0  }
0x4f: {  	s13 =	simm.s32 $0x0;
	[sflag:s28] =	ssyncadd.s32 $0xFFFFF830  }
0x50: {  	v3 =	vld [tilespmem:s13+$0x1000];
	_ =	sdelay $0x4  }
0x51: {  	v4 =	vmul.f32 v3, v3;
	_ =	sdelay $0x1  }
0x52: {  	v5 =	vmul.f32 $2.500000000e-01, v4  }
0x53: {  	v4 =	vadd.f32 $1.000000000e+00, v4  }
0x54: {  	v6 =	vmul.f32 $-1.028713490e-02, v5  }
0x55: {  	v7 =	vmul.f32 $5.000000000e-01, v4;
	v4 =	vshra.s32 v4, $0x1  }
0x56: {  	v4 =	vsub.s32 $0x5F3759DF, v4;
	v6 =	vadd.f32 $1.147943140e-01, v6  }
0x57: {  	v8 =	vmul.f32 v4, v7  }
0x58: {  	v6 =	vmul.f32 v6, v5  }
0x59: {  	v8 =	vmul.f32 v4, v8  }
0x5a: {  	v6 =	vadd.f32 $-6.661269060e-01, v6  }
0x5b: {  	v10 =	vadd.s32 s10, v1;
	v8 =	vsub.f32 $1.500000000e+00, v8  }
0x5c: {  	v12 =	vadd.s32 s10, v0;
	v9 =	vld [tilespmem:s13+$0x3780];
	v6 =	vmul.f32 v6, v5  }
0x5d: {  	v11 =	vld [tilespmem:s13+$0x2F80];
	(erf) = vrcp.f32 v3;
	v4 =	vmul.f32 v4, v8  }
0x5e: {  	v18 =	vld [tilespmem:s13+$0x4780];
	v6 =	vadd.f32 $2.028983830e+00, v6  }
0x5f: {  	v13 =	vadd.s32 s10, v2;
	v14 =	vld [tilespmem:s13+$0x5780];
	v7 =	vmul.f32 v4, v7  }
0x60: {  	v19 =	vld.idx.msk [tilespmem:v10+s26+$0x0], $0xffff;
	v6 =	vmul.f32 v6, v5  }
0x61: {  	v20 =	vld.idx.msk [tilespmem:v12+s26+$0x0], $0xffff;
	v10 =	vmul.f32 v7, v4  }
0x62: {  	v15 =	vld [tilespmem:s13+$0x5F80];
	v6 =	vadd.f32 $-2.467364070e+00, v6  }
0x63: {  	v17 =	vld [tilespmem:s13+$0x3F80];
	v12 =	vsub.f32 $1.500000000e+00, v10  }
0x64: {  	v8 =	vld.idx.msk [tilespmem:v13+s26+$0x0], $0xffff;
	v13 =	vmul.f32 v6, v5  }
0x65: {  	s30 =	simm.s32 $0x10;
	v7 =	vld [tilespmem:s13+$0x6780];
	v5 =	vmul.f32 v9, v11;
	v6 =	vadd.f32 v11, v11;
	v11 =	vmul.f32 v12, v4  }
0x66: {  	v16 =	vmul.f32 v20, v14;
	v9 =	vpop (erf);
	v4 =	vld [tilespmem:s30+$0x1000]  }
0x67: {  	v21 =	vmul.f32 v19, v15;
	v12 =	vmul.f32 v15, v18;
	v15 =	vsub.f32 v11, v9;
	v11 =	vld [tilespmem:s13+$0x4F80]  }
0x68: {  	vm0 =	vlt.f32 v3, $2.000000000e+00;
	v13 =	vadd.f32 $9.999991050e-01, v13  }
0x69: {  	v16 =	vadd.f32 v21, v16;
	v10 =	vmul.f32 v14, v17;
	v17 =	vmul.f32 v20, v17  }
0x6a: {  	s0 =	simm.s32 $0x80;
	v18 =	vmul.f32 v19, v18;
	v14 =	vnsel vm0, $0x0, v13;
	v13 =	vmul.f32 v8, v7  }
.LBB2_3:
0x6b: {  	p0 =	sne.s32 s0, $0x1F00;
	v19 =	vmul.f32 v4, v4;
	v14 =	vmul.f32 v15, v14;
	v10 =	vadd.f32 v12, v10  }
0x6c: {  	v12 =	vadd.f32 v13, v16;
	v13 =	vadd.f32 v18, v17;
	v8 =	vmul.f32 v8, v11  }
0x6d: {  	v7 =	vmul.f32 v7, v11;
	v15 =	vadd.f32 $1.000000000e+00, v19;
	v14 =	vadd.f32 v14, v9  }
0x6e: {  	v11 =	vmul.f32 $2.500000000e-01, v19;
	v12 =	vmul.f32 v12, v9;
	v8 =	vadd.f32 v8, v13  }
0x6f: {  	v7 =	vadd.f32 v7, v10;
	v13 =	vmul.f32 $5.000000000e-01, v15;
	v16 =	vmul.f32 v14, v14  }
0x70: {  	v10 =	vshra.s32 v15, $0x1;
	v8 =	vmul.f32 v8, v9;
	v9 =	vmul.f32 $-3.000000000e+00, v12  }
0x71: {  	v15 =	vmul.f32 $-1.028713490e-02, v11;
	v17 =	vmul.f32 v16, v14;
	v14 =	vadd.f32 $-1.000000010e-01, v14  }
0x72: {  	v6 =	vmul.f32 v12, v6;
	v12 =	vadd.f32 $-9.999999770e-03, v16;
	v8 =	vmul.f32 v9, v8  }
0x73: {  	v9 =	vsub.s32 $0x5F3759DF, v10;
	v10 =	vadd.f32 $1.147943140e-01, v15;
	v5 =	vmul.f32 v14, v5  }
0x74: {  	v6 =	vmul.f32 v12, v6;
	v7 =	vadd.f32 v8, v7;
	v8 =	vadd.f32 $-1.000000050e-03, v17  }
0x75: {  	v12 =	vmul.f32 v9, v13  }
0x76: {  	v10 =	vmul.f32 v10, v11;
	v5 =	vadd.f32 v6, v5;
	v6 =	vmul.f32 v8, v7;
	_ =	sdelay $0x1  }
0x77: {  	s10 =	sadd.s32 $0x30, s10;
	v7 =	vmul.f32 v9, v12;
	v8 =	vadd.f32 $-6.661269060e-01, v10;
	v12 =	vld [tilespmem:s30+$0x3780];
	v5 =	vadd.f32 v6, v5  }
0x78: {  	v14 =	vadd.s32 s10, v1;
	v10 =	vadd.s32 s10, v0;
	v6 =	vld [tilespmem:s30+$0x2F80]  }
0x79: {  	v7 =	vsub.f32 $1.500000000e+00, v7;
	v8 =	vmul.f32 v8, v11;
	v17 =	vld [tilespmem:s30+$0x3F80];
	v5 =	vmul.f32 $7.199822900e+00, v5  }
0x7a: {  	vm0 =	vle.f32 v3, $1.000000000e+01;
	v3 =	vmovc v4;
	v15 =	vadd.s32 s10, v2;
	v18 =	vld [tilespmem:s30+$0x4780];
	(erf) = vrcp.f32 v4  }
0x7b: {  	v9 =	vmul.f32 v9, v7;
	v4 =	vadd.f32 $2.028983830e+00, v8;
	v16 =	vld [tilespmem:s30+$0x5780];
	v5 =	vnsel vm0, $0x0, v5  }
0x7c: {  	v19 =	vld [tilespmem:s30+$0x5F80];
	[tilespmem:s13+$0x6F80] =	vst v5;
	s13 =	smov.u32 s30  }
0x7d: {  	v5 =	vmul.f32 v9, v13;
	v4 =	vmul.f32 v4, v11;
	v20 =	vld.idx.msk [tilespmem:v14+s26+$0x0], $0xffff  }
0x7e: {  	v21 =	vld.idx.msk [tilespmem:v10+s26+$0x0], $0xffff  }
0x7f: {  	v5 =	vmul.f32 v5, v9;
	v4 =	vadd.f32 $-2.467364070e+00, v4;
	v8 =	vld.idx.msk [tilespmem:v15+s26+$0x0], $0xffff  }
0x80: {  	v7 =	vld [tilespmem:s13+$0x6780]  }
0x81: {  	s30 =	sshra.s32 s0, $0x2;
	v13 =	vsub.f32 $1.500000000e+00, v5;
	v11 =	vmul.f32 v4, v11  }
.Ltmp0:
0x82: {  	v10 =	vmul.f32 v16, v17;
	v5 =	vmul.f32 v12, v6;
	v6 =	vadd.f32 v6, v6;
	v4 =	vld [tilespmem:s30+$0x1000];
	(pc) =	sbr.rel @p0 .LBB2_3-.Ltmp0, $4  }
0x83: {  	v12 =	vmul.f32 v19, v18;
	v13 =	vmul.f32 v13, v9;
	v14 =	vadd.f32 $9.999991050e-01, v11;
	v11 =	vld [tilespmem:s13+$0x4F80];
	v9 =	vpop (erf)  }
0x84: {  	vm0 =	vlt.f32 v3, $2.000000000e+00;
	v19 =	vmul.f32 v20, v19;
	v16 =	vmul.f32 v21, v16  }
0x85: {  	v14 =	vnsel vm0, $0x0, v14;
	v15 =	vsub.f32 v13, v9;
	v13 =	vmul.f32 v8, v7  }
0x86: {  	s0 =	sadd.s32 $0x40, s0;
	v18 =	vmul.f32 v20, v18;
	v17 =	vmul.f32 v21, v17;
	v16 =	vadd.f32 v19, v16  }
0x87: {  	v19 =	vmul.f32 v4, v4;
	v14 =	vmul.f32 v15, v14;
	v10 =	vadd.f32 v12, v10  }
0x88: {  	v21 =	vadd.f32 v13, v16;
	v22 =	vadd.f32 v18, v17;
	v8 =	vmul.f32 v8, v11  }
0x89: {  	v7 =	vmul.f32 v7, v11;
	v23 =	vadd.f32 $1.000000000e+00, v19;
	v14 =	vadd.f32 v14, v9  }
0x8a: {  	v24 =	vmul.f32 $2.500000000e-01, v19;
	v12 =	vmul.f32 v21, v9;
	v8 =	vadd.f32 v8, v22  }
0x8b: {  	v7 =	vadd.f32 v7, v10;
	v25 =	vmul.f32 $5.000000000e-01, v23;
	v26 =	vmul.f32 v14, v14  }
0x8c: {  	v27 =	vshra.s32 v23, $0x1;
	v8 =	vmul.f32 v8, v9;
	v28 =	vmul.f32 $-3.000000000e+00, v12  }
0x8d: {  	v29 =	vmul.f32 $-1.028713490e-02, v24;
	v30 =	vmul.f32 v26, v14;
	v14 =	vadd.f32 $-1.000000010e-01, v14  }
0x8e: {  	v6 =	vmul.f32 v12, v6;
	v31 =	vadd.f32 $-9.999999770e-03, v26;
	v8 =	vmul.f32 v28, v8  }
0x8f: {  	v32 =	vsub.s32 $0x5F3759DF, v27;
	v33 =	vadd.f32 $1.147943140e-01, v29;
	v5 =	vmul.f32 v14, v5  }
0x90: {  	v6 =	vmul.f32 v31, v6;
	v34 =	vadd.f32 $-1.000000050e-03, v30;
	v7 =	vadd.f32 v8, v7  }
0x91: {  	v35 =	vmul.f32 v32, v25  }
0x92: {  	v10 =	vmul.f32 v33, v24;
	v5 =	vadd.f32 v6, v5;
	v36 =	vmul.f32 v34, v7;
	_ =	sdelay $0x1  }
0x93: {  	v37 =	vld [tilespmem:s30+$0x3780];
	s0 =	sadd.s32 $0x30, s10;
	v38 =	vmul.f32 v32, v35;
	v10 =	vadd.f32 $-6.661269060e-01, v10;
	v5 =	vadd.f32 v36, v5  }
0x94: {  	v39 =	vld [tilespmem:s30+$0x2F80];
	v40 =	vadd.s32 s0, v0;
	v41 =	vadd.s32 s0, v1  }
0x95: {  	v42 =	vld [tilespmem:s30+$0x3F80];
	v8 =	vsub.f32 $1.500000000e+00, v38;
	v10 =	vmul.f32 v10, v24;
	v5 =	vmul.f32 $7.199822900e+00, v5  }
0x96: {  	v43 =	vld [tilespmem:s30+$0x4780];
	(erf) = vrcp.f32 v4;
	vm0 =	vle.f32 v3, $1.000000000e+01;
	v44 =	vadd.s32 s0, v2  }
0x97: {  	v3 =	vld [tilespmem:s30+$0x5780];
	v8 =	vmul.f32 v32, v8;
	v45 =	vadd.f32 $2.028983830e+00, v10;
	v5 =	vnsel vm0, $0x0, v5  }
0x98: {  	v46 =	vld [tilespmem:s30+$0x5F80];
	[tilespmem:s13+$0x6F80] =	vst v5  }
0x99: {  	v47 =	vmul.f32 v8, v25;
	v9 =	vmul.f32 v45, v24;
	v48 =	vld.idx.msk [tilespmem:v41+s26+$0x0], $0xffff  }
0x9a: {  	v12 =	vld.idx.msk [tilespmem:v40+s26+$0x0], $0xffff  }
0x9b: {  	v5 =	vmul.f32 v47, v8;
	v9 =	vadd.f32 $-2.467364070e+00, v9;
	v49 =	vld.idx.msk [tilespmem:v44+s26+$0x0], $0xffff  }
0x9c: {  	v50 =	vld [tilespmem:s30+$0x6780]  }
0x9d: {  	v5 =	vsub.f32 $1.500000000e+00, v5;
	v9 =	vmul.f32 v9, v24;
	_ =	sdelay $0x1  }
0x9e: {  	v52 =	vld [tilespmem:s30+$0x4F80];
	v5 =	vmul.f32 v5, v8;
	v51 =	vadd.f32 $9.999991050e-01, v9  }
0x9f: {  	vm14 =	vlt.f32 v4, $2.000000000e+00;
	v53 =	vpop (erf);
	v54 =	vmul.f32 v12, v3;
	v55 =	vmul.f32 v48, v46  }
0xa0: {  	v8 =	vnsel vm14, $0x0, v51;
	v5 =	vsub.f32 v5, v53;
	v20 =	vmul.f32 v49, v50  }
0xa1: {  	v12 =	vmul.f32 v12, v42;
	v13 =	vmul.f32 v48, v43;
	v18 =	vadd.f32 v55, v54  }
0xa2: {  	v5 =	vmul.f32 v5, v8  }
0xa3: {  	v57 =	vmul.f32 v49, v52;
	v12 =	vadd.f32 v13, v12;
	v56 =	vadd.f32 v20, v18  }
0xa4: {  	v10 =	vmul.f32 v46, v43;
	v3 =	vmul.f32 v3, v42;
	v5 =	vadd.f32 v5, v53  }
0xa5: {  	v7 =	vmul.f32 v37, v39;
	v12 =	vadd.f32 v57, v12;
	v8 =	vmul.f32 v56, v53  }
0xa6: {  	v9 =	vmul.f32 v50, v52;
	v3 =	vadd.f32 v10, v3;
	v58 =	vmul.f32 v5, v5  }
0xa7: {  	v6 =	vadd.f32 v39, v39;
	v11 =	vmul.f32 v12, v53;
	v59 =	vmul.f32 $-3.000000000e+00, v8  }
0xa8: {  	v3 =	vadd.f32 v9, v3;
	v60 =	vmul.f32 v58, v5;
	v5 =	vadd.f32 $-1.000000010e-01, v5  }
0xa9: {  	v6 =	vmul.f32 v8, v6;
	v61 =	vadd.f32 $-9.999999770e-03, v58;
	v62 =	vmul.f32 v59, v11  }
0xaa: {  	v5 =	vmul.f32 v5, v7  }
0xab: {  	v6 =	vmul.f32 v61, v6;
	v63 =	vadd.f32 $-1.000000050e-03, v60;
	v3 =	vadd.f32 v62, v3;
	_ =	sdelay $0x1  }
0xac: {  	v5 =	vadd.f32 v6, v5;
	v3 =	vmul.f32 v63, v3;
	_ =	sdelay $0x1  }
0xad: {  	v3 =	vadd.f32 v3, v5;
	_ =	sdelay $0x1  }
0xae: {  	v3 =	vmul.f32 $7.199822900e+00, v3  }
0xaf: {  	vm15 =	vle.f32 v4, $1.000000000e+01;
	s31 =	sadd.s32 $0x1, s31  }
0xb0: {  	p0 =	sne.s32 s31, $0x64;
	v3 =	vnsel vm15, $0x0, v3  }
.Ltmp1:
0xb1: {  	[tilespmem:s30+$0x6F80] =	vst v3;
	s30 =	sadd.s32 s9, s4;
	(pc) =	sbr.rel @p0 .LBB2_2-.Ltmp1, $4  }
0xb2: {  	[hbm4b:s30+s11] =	stream.linear.scatter [tilespmem:s29], [sflag:$0x2], $0x7D0, $0x38;
	[tilespmem:$0x7780] =	vst v63  }
0xb3: {  	_ =	swait.ge [sflag:s14], $0x7D0  }
0xb4: {  	[sflag:s14] =	ssyncset.done $0x0  }
0xb5: {  	[sflag:s14] =	ssyncadd.s32 $0xFFFFF830  }
0xb6: {  	s4 =	rddreg [dreg:$0xb]  }
0xb7: {  	s0 =	rddreg [dreg:$0xa];
	s4 =	sadd.s32 $0x1, s4  }
0xb8: {  	p0 =	sne.s32 s4, s0  }
.Ltmp2:
0xb9: {  	_ = 	snop;
	(pc) =	sbr.rel @p0 .LBB2_1-.Ltmp2, $1  }
0xba: {  	_ =	sdelay $0x3  }
0xbb: {  	_ =	sfence.sel $0x180000  }
0xbc: {  	[bflag:$0x0] =	sbarrier.arrive $0xFFFF  }
0xbd: {  	_ =	strace $0x90000047  }
0xbe: {  	s0 =	stileid.u32;
	[bflag:$0x2] =	sbarrier.arrive $0xFFFF  }
0xbf: {  	p0 =	sne.s32 s0, $0x0;
	s0 =	rddreg [dreg:$0x9]  }
0xc0: {  	s0 =	sadd.s32 @!p0 $0x100000, s0  }
0xc1: {  	[sflag:s0] =	ssyncadd.tile.s32 @!p0 $0x1;
	_ =	shalt  }
.Lfunc_end2:
_tile_overlayer_lowered:
.L_overlay_start_2:
0xc2: {  	(tag) =	ssettag $0x2  }
0xc3: {  	s0 =	rddreg [dreg:$0x0];
	s2 =	stileid.u32  }
0xc4: {  	s1 =	rddreg [dreg:$0x1];
	p0 =	sne.s32 s2, $0x0  }
0xc5: {  	s3 =	rddreg [dreg:$0x2];
	[bflag:$0x3] =	sbarrier.arrive $0xFFFF;
	s2 =	simm.s32 @!p0 $0x1C02  }
0xc6: {  	[timem:s3], [sflag:s2] =	dma.local @!p0 [hbm:s0], s1  }
0xc7: {  	s0 =	simm.s32 @!p0 $0x2  }
0xc8: {  	_ =	swait.ge @!p0 [sflag:s0], s1  }
0xc9: {  	s1 =	ssub.s32 @!p0 $0x0, s1;
	[sflag:s0] =	ssyncset.done @!p0 $0x0  }
0xca: {  	[sflag:s0] =	ssyncadd.s32 @!p0 s1  }
0xcb: {  	[bflag:$0x3] =	sbarrier.arrive $0xFFFF  }
0xcc: {  	_ =	shalt  }

</sc_bundles>
